<compile_context>
chip_gen: v7x
topology: tpu7x:2x2x1
jax: 0.10.2.dev20260603
libtpu: 0.0.44.dev20260713+nightly
codegen_flags: <defaults>
</compile_context>

<pallas_src>
import functools

import numpy as np
import jax
import jax.numpy as jnp
from jax import lax
from jax.experimental import pallas as pl
from jax.experimental.pallas import tpu as pltpu
from jax.experimental.pallas import tpu_sc as plsc

N_BINS = 15
ROWS = 50000
COLS = 1000
CH = 40
NG = CH // 8
GRID = COLS // CH

NW = 32
BPW = 1568
B_PAD = NW * BPW

_BOUNDS = np.linspace(0.0, 1.0, N_BINS + 1).astype(np.float32)
_LOWERS = np.concatenate([_BOUNDS[:-1], [2.0]]).astype(np.float32).reshape(16, 1)
_UPPERS = np.concatenate([_BOUNDS[1:], [1.0]]).astype(np.float32).reshape(16, 1)

_SC_MESH = plsc.VectorSubcoreMesh(core_axis_name="c", subcore_axis_name="s")


@functools.partial(
    pl.kernel,
    mesh=_SC_MESH,
    out_type=jax.ShapeDtypeStruct((B_PAD,), jnp.float32),
    scratch_types=[
        pltpu.VMEM((BPW,), jnp.int32),
        pltpu.VMEM((BPW,), jnp.float32),
        pltpu.SemaphoreType.DMA,
    ],
)
def _label_gather(x_hbm, lab_hbm, out_hbm, idx_v, rows_v, sem):
    wid = lax.axis_index("s") * 2 + lax.axis_index("c")
    base = wid * BPW
    pltpu.sync_copy(lab_hbm.at[pl.ds(base, BPW)], idx_v)

    def body(i, _):
        lab16 = idx_v[pl.ds(i * 16, 16)]
        j16 = base + i * 16 + lax.iota(jnp.int32, 16)
        idx_v[pl.ds(i * 16, 16)] = lab16 * ROWS + j16
        return _

    lax.fori_loop(0, BPW // 16, body, None)
    pltpu.async_copy(x_hbm.at[idx_v], rows_v, sem).wait()
    pltpu.sync_copy(rows_v, out_hbm.at[pl.ds(base, BPW)])


def _ece_kernel(x_ref, labe_ref, ones_ref, low_ref, up_ref, ece_ref, m_ref,
                s_ref):
    c = pl.program_id(0)

    x = x_ref[...]
    e = jnp.exp(x)

    m8 = jnp.max(e.reshape(NG, 8, ROWS), axis=0)
    s8 = lax.dot_general(ones_ref[...], e, (((1,), (0,)), ((), ())),
                         preferred_element_type=jnp.float32)

    @pl.when(c == 0)
    def _init():
        m_ref[...] = m8
        s_ref[...] = s8

    @pl.when(c != 0)
    def _accum():
        m_ref[...] = jnp.maximum(m_ref[...], m8)
        s_ref[...] += s8

    @pl.when(c == GRID - 1)
    def _finalize():
        me = jnp.max(m_ref[...], axis=0, keepdims=True)
        s = s_ref[0:1, :]
        conf = me / s
        acc = (jnp.exp(labe_ref[...]) == me).astype(jnp.float32)

        lowers = low_ref[...]
        uppers = up_ref[...]
        mask = ((conf > lowers) & (conf <= uppers)).astype(jnp.float32)
        cnt = jnp.sum(mask, axis=1, keepdims=True)
        sconf = jnp.sum(mask * conf, axis=1, keepdims=True)
        sacc = jnp.sum(mask * acc, axis=1, keepdims=True)

        safe = jnp.maximum(cnt, 1.0)
        prop = cnt / float(ROWS)
        per_bin = jnp.where(prop > 0.0,
                            jnp.abs(sconf / safe - sacc / safe) * prop, 0.0)
        ece_ref[...] = jnp.sum(per_bin, keepdims=True).reshape(1, 1)


def kernel(logits, labels):
    xt = logits.T
    labp = jnp.pad(labels.astype(jnp.int32), (0, B_PAD - ROWS))
    labe = _label_gather(xt.reshape(-1), labp)[:ROWS].reshape(1, ROWS)
    ones = jnp.ones((8, CH), jnp.float32)
    ece = pl.pallas_call(
        _ece_kernel,
        grid=(GRID,),
        in_specs=[
            pl.BlockSpec((CH, ROWS), lambda c: (c, 0)),
            pl.BlockSpec((1, ROWS), lambda c: (0, 0)),
            pl.BlockSpec((8, CH), lambda c: (0, 0)),
            pl.BlockSpec((16, 1), lambda c: (0, 0)),
            pl.BlockSpec((16, 1), lambda c: (0, 0)),
        ],
        out_specs=pl.BlockSpec((1, 1), lambda c: (0, 0)),
        out_shape=jax.ShapeDtypeStruct((1, 1), jnp.float32),
        scratch_shapes=[
            pltpu.VMEM((8, ROWS), jnp.float32),
            pltpu.VMEM((8, ROWS), jnp.float32),
        ],
    )(xt, labe, ones, jnp.asarray(_LOWERS), jnp.asarray(_UPPERS))
    return ece.reshape(1)

# --- scband reference (transcript-rebuilt; emitter-appended) ---
"""Pipeline reference for scband-eceloss-21612275433589 (READ-ONLY COPY).

The authoritative reference and input builder live on the scoring server;
editing this copy changes nothing except your own understanding.
"""

import jax, jax.numpy as jnp
import numpy as np

N_BINS = 15


def setup_inputs(seed: int = 0) -> dict:
    key = jax.random.key(seed)
    k1, k2 = jax.random.split(key)
    logits = jax.random.normal(k1, (50000, 1000), dtype=jnp.float32)
    labels = jax.random.randint(k2, (50000,), 0, 1000, dtype=jnp.int64)
    return {"logits": logits, "labels": labels}


def reference(logits, labels):
    softmaxes = jax.nn.softmax(logits, axis=1)
    confidences = jnp.max(softmaxes, axis=1)
    predictions = jnp.argmax(softmaxes, axis=1)
    accuracies = (predictions == labels).astype(jnp.float32)

    bin_boundaries = jnp.linspace(0.0, 1.0, N_BINS + 1)
    bin_lowers = bin_boundaries[:-1]
    bin_uppers = bin_boundaries[1:]

    # in_bin[b, n] = (conf > lower_b) & (conf <= upper_b)
    in_bin = (confidences[None, :] > bin_lowers[:, None]) & (
        confidences[None, :] <= bin_uppers[:, None]
    )
    in_bin_f = in_bin.astype(jnp.float32)

    counts = in_bin_f.sum(axis=1)                      # [n_bins]
    prop_in_bin = in_bin_f.mean(axis=1)                # [n_bins]
    safe_counts = jnp.maximum(counts, 1.0)
    accuracy_in_bin = (in_bin_f * accuracies[None, :]).sum(axis=1) / safe_counts
    avg_confidence_in_bin = (in_bin_f * confidences[None, :]).sum(axis=1) / safe_counts

    per_bin = jnp.where(
        prop_in_bin > 0,
        jnp.abs(avg_confidence_in_bin - accuracy_in_bin) * prop_in_bin,
        0.0,
    )
    ece = jnp.sum(per_bin)
    return jnp.reshape(ece, (1,))

if __name__ == "__main__":
    import jax
    _d = setup_inputs()
    print(jax.jit(kernel)(*tuple(_d.values())))

</pallas_src>

<mosaic_0001>
#map = affine_map<(d0, d1) -> (0)>
module attributes {stable_mosaic.version = 14 : i64} {
  func.func @_label_gather(%arg0: i32, %arg1: i32, %arg2: memref<50000000xf32, #tpu.memory_space<hbm>>, %arg3: memref<50176xi32, #tpu.memory_space<hbm>>, %arg4: memref<50176xf32, #tpu.memory_space<hbm>>, %arg5: memref<1568xi32, #tpu.memory_space<vmem>>, %arg6: memref<1568xf32, #tpu.memory_space<vmem>>, %arg7: memref<!tpu.dma_semaphore, #tpu.memory_space<semaphore_mem>>) attributes {dimension_semantics = [#tpu.dimension_semantics<core_parallel>, #tpu.dimension_semantics<subcore_parallel>], iteration_bounds = array<i64: 2, 16>, scalar_prefetch = 0 : i64, scratch_operands = 3 : i64, tpu.core_type = #tpu.core_type<sc_vector_subcore>, window_params = [{transform_indices = #map}, {transform_indices = #map}, {transform_indices = #map}]} {
    %mul3A = arith.constant 2 : i32
    %mul3A_0 = arith.muli %arg1, %mul3A : i32
    %add3A = arith.addi %mul3A_0, %arg0 : i32
    %mul3A_1 = arith.constant 1568 : i32
    %mul3A_2 = arith.muli %add3A, %mul3A_1 : i32
    "tpu.region"() ({
      %run_scoped3A = tpu.sem_alloc : memref<!tpu.dma_semaphore, #tpu.memory_space<semaphore_mem>>
      %dma_start3A_9 = tpu.memref_slice %arg3[%mul3A_2] : memref<50176xi32, #tpu.memory_space<hbm>> -> memref<1568xi32, #tpu.memory_space<hbm>>
      %dma_start3A_10 = tpu.memref_slice %arg3[%mul3A_2] : memref<50176xi32, #tpu.memory_space<hbm>> -> memref<1568xi32, #tpu.memory_space<hbm>>
      tpu.enqueue_dma source(%dma_start3A_10 : memref<1568xi32, #tpu.memory_space<hbm>>) target(%arg5 : memref<1568xi32, #tpu.memory_space<vmem>>) target_semaphore(%run_scoped3A : memref<!tpu.dma_semaphore, #tpu.memory_space<semaphore_mem>>)
      %dma_wait3A_11 = tpu.memref_slice %arg3[%mul3A_2] : memref<50176xi32, #tpu.memory_space<hbm>> -> memref<1568xi32, #tpu.memory_space<hbm>>
      %dma_wait3A_12 = tpu.memref_slice %arg3[%mul3A_2] : memref<50176xi32, #tpu.memory_space<hbm>> -> memref<1568xi32, #tpu.memory_space<hbm>>
      tpu.wait_dma2 semaphore(%run_scoped3A : memref<!tpu.dma_semaphore, #tpu.memory_space<semaphore_mem>>) src(%dma_wait3A_12 : memref<1568xi32, #tpu.memory_space<hbm>>) dst(%arg5 : memref<1568xi32, #tpu.memory_space<vmem>>)
      tpu.yield
    }) : () -> ()
    %scan3A = arith.constant 0 : i32
    %scan3A_3 = arith.constant 98 : i32
    %scan3A_4 = arith.addi %scan3A, %scan3A_3 : i32
    %scan3A_5 = arith.constant 1 : i32
    scf.for %scan3A_9 = %scan3A to %scan3A_4 step %scan3A_5  : i32 {
      %mul3A_10 = arith.constant 16 : i32
      %mul3A_11 = arith.muli %scan3A_9, %mul3A_10 : i32
      %get3A = arith.index_cast %mul3A_11 : i32 to index
      %get3A_12 = tpu.vector_load %arg5[%get3A] {strides = array<i32>} : memref<1568xi32, #tpu.memory_space<vmem>>, vector<16xi32>,
      %get3A_13 = vector.shape_cast %get3A_12 : vector<16xi32> to vector<16xi32>
      %mul3A_14 = arith.constant 16 : i32
      %mul3A_15 = arith.muli %scan3A_9, %mul3A_14 : i32
      %add3A_16 = arith.addi %mul3A_2, %mul3A_15 : i32
      %iota3A = tpu.iota {dimensions = array<i32: 0>} : vector<16xi32>
      %add3A_17 = vector.broadcast %add3A_16 : i32 to vector<16xi32>
      %add3A_18 = arith.addi %add3A_17, %iota3A : vector<16xi32>
      %mul3A_19 = arith.constant 50000 : i32
      %mul3A_20 = vector.broadcast %mul3A_19 : i32 to vector<16xi32>
      %mul3A_21 = arith.muli %get3A_13, %mul3A_20 : vector<16xi32>
      %add3A_22 = arith.addi %mul3A_21, %add3A_18 : vector<16xi32>
      %mul3A_23 = arith.constant 16 : i32
      %mul3A_24 = arith.muli %scan3A_9, %mul3A_23 : i32
      %swap3A = arith.index_cast %mul3A_24 : i32 to index
      %swap3A_25 = tpu.vector_load %arg5[%swap3A] {strides = array<i32>} : memref<1568xi32, #tpu.memory_space<vmem>>, vector<16xi32>,
      %swap3A_26 = vector.shape_cast %swap3A_25 : vector<16xi32> to vector<16xi32>
      %swap3A_27 = vector.shape_cast %add3A_22 : vector<16xi32> to vector<16xi32>
      tpu.vector_store %arg5[%swap3A], %swap3A_27 {strides = array<i32>} : memref<1568xi32, #tpu.memory_space<vmem>>, vector<16xi32>,
    }
    %scan3A_6 = arith.constant 98 : i32
    %dma_start3A = arith.constant 0 : i32
    %dma_start3A_7 = tpu.memref_slice %arg2[%dma_start3A] : memref<50000000xf32, #tpu.memory_space<hbm>> -> memref<50000000xf32, #tpu.memory_space<hbm>>
    tpu.enqueue_indirect_dma source(%dma_start3A_7 : memref<50000000xf32, #tpu.memory_space<hbm>>) target(%arg6 : memref<1568xf32, #tpu.memory_space<vmem>>) offsets(%arg5 : memref<1568xi32, #tpu.memory_space<vmem>>) semaphore(%arg7 : memref<!tpu.dma_semaphore, #tpu.memory_space<semaphore_mem>>)
    %dma_wait3A = arith.constant 0 : i32
    %dma_wait3A_8 = tpu.memref_slice %arg2[%dma_wait3A] : memref<50000000xf32, #tpu.memory_space<hbm>> -> memref<50000000xf32, #tpu.memory_space<hbm>>
    tpu.wait_indirect_dma semaphore(%arg7 : memref<!tpu.dma_semaphore, #tpu.memory_space<semaphore_mem>>) src(%dma_wait3A_8 : memref<50000000xf32, #tpu.memory_space<hbm>>) dst(%arg6 : memref<1568xf32, #tpu.memory_space<vmem>>)
    "tpu.region"() ({
      %run_scoped3A = tpu.sem_alloc : memref<!tpu.dma_semaphore, #tpu.memory_space<semaphore_mem>>
      %dma_start3A_9 = tpu.memref_slice %arg4[%mul3A_2] : memref<50176xf32, #tpu.memory_space<hbm>> -> memref<1568xf32, #tpu.memory_space<hbm>>
      %dma_start3A_10 = tpu.memref_slice %arg4[%mul3A_2] : memref<50176xf32, #tpu.memory_space<hbm>> -> memref<1568xf32, #tpu.memory_space<hbm>>
      tpu.enqueue_dma source(%arg6 : memref<1568xf32, #tpu.memory_space<vmem>>) target(%dma_start3A_10 : memref<1568xf32, #tpu.memory_space<hbm>>) target_semaphore(%run_scoped3A : memref<!tpu.dma_semaphore, #tpu.memory_space<semaphore_mem>>)
      %dma_wait3A_11 = tpu.memref_slice %arg4[%mul3A_2] : memref<50176xf32, #tpu.memory_space<hbm>> -> memref<1568xf32, #tpu.memory_space<hbm>>
      %dma_wait3A_12 = tpu.memref_slice %arg4[%mul3A_2] : memref<50176xf32, #tpu.memory_space<hbm>> -> memref<1568xf32, #tpu.memory_space<hbm>>
      tpu.wait_dma2 semaphore(%run_scoped3A : memref<!tpu.dma_semaphore, #tpu.memory_space<semaphore_mem>>) src(%arg6 : memref<1568xf32, #tpu.memory_space<vmem>>) dst(%dma_wait3A_12 : memref<1568xf32, #tpu.memory_space<hbm>>)
      tpu.yield
    }) : () -> ()
    return
  }
}

module attributes {stable_mosaic.version = 14 : i64} {
  func.func @_ece_kernel(%arg0: i32, %arg1: memref<40x50000xf32, #tpu.memory_space<vmem>>, %arg2: memref<1x50000xf32, #tpu.memory_space<vmem>>, %arg3: memref<8x40xf32, #tpu.memory_space<vmem>>, %arg4: memref<16x1xf32, #tpu.memory_space<vmem>>, %arg5: memref<16x1xf32, #tpu.memory_space<vmem>>, %arg6: memref<1x1xf32, #tpu.memory_space<vmem>>, %arg7: memref<8x50000xf32, #tpu.memory_space<vmem>>, %arg8: memref<8x50000xf32, #tpu.memory_space<vmem>>) attributes {dimension_semantics = [#tpu.dimension_semantics<arbitrary>], iteration_bounds = array<i64: 25>, scalar_prefetch = 0 : i64, scratch_operands = 2 : i64, tpu.core_type = #tpu.core_type<tc>, window_params = [{transform_indices = @transform_0, window_bounds = array<i64: 40, 50000>}, {pipeline_mode = #tpu.pipeline_mode<synchronous>, transform_indices = @transform_1, window_bounds = array<i64: 1, 50000>}, {pipeline_mode = #tpu.pipeline_mode<synchronous>, transform_indices = @transform_2, window_bounds = array<i64: 8, 40>}, {pipeline_mode = #tpu.pipeline_mode<synchronous>, transform_indices = @transform_3, window_bounds = array<i64: 16, 1>}, {pipeline_mode = #tpu.pipeline_mode<synchronous>, transform_indices = @transform_4, window_bounds = array<i64: 16, 1>}, {pipeline_mode = #tpu.pipeline_mode<synchronous>, transform_indices = @transform_5, window_bounds = array<i64: 1, 1>}]} {
    %get3A = arith.constant 0 : index
    %get3A_0 = arith.constant 0 : index
    %get3A_1 = vector.load %arg1[%get3A, %get3A_0] : memref<40x50000xf32, #tpu.memory_space<vmem>>, vector<40x50000xf32>
    %exp3A = math.exp %get3A_1 : vector<40x50000xf32>
    %reshape3A = vector.shape_cast %exp3A : vector<40x50000xf32> to vector<5x8x50000xf32>
    %reduce_max3A = arith.constant dense<0xFF800000> : vector<8x50000xf32>
    %reduce_max3A_2 = vector.multi_reduction <maximumf>, %reshape3A, %reduce_max3A [0] : vector<5x8x50000xf32> to vector<8x50000xf32>
    %get3A_3 = arith.constant 0 : index
    %get3A_4 = arith.constant 0 : index
    %get3A_5 = vector.load %arg3[%get3A_3, %get3A_4] : memref<8x40xf32, #tpu.memory_space<vmem>>, vector<8x40xf32>
    %dot_general3A = arith.constant dense<0.000000e+00> : vector<8x50000xf32>
    %dot_general3A_6 = tpu.matmul %get3A_5, %exp3A, %dot_general3A {dimension_numbers = #tpu.dot_dimension_numbers<[1], [0], [0], [1], [0, 0, 1, 1], [], []>, transpose_lhs_hint = false} : vector<8x40xf32>, vector<40x50000xf32>, vector<8x50000xf32> -> vector<8x50000xf32>
    %eq3A = arith.constant 0 : i32
    %eq3A_7 = arith.cmpi eq, %arg0, %eq3A : i32
    %convert_element_type3A = arith.extui %eq3A_7 : i1 to i32
    %cond3A = arith.constant 0 : i32
    %cond3A_8 = arith.cmpi ne, %convert_element_type3A, %cond3A : i32
    scf.if %cond3A_8 {
      %swap3A = arith.constant 0 : index
      %swap3A_18 = arith.constant 0 : index
      %swap3A_19 = vector.load %arg7[%swap3A, %swap3A_18] : memref<8x50000xf32, #tpu.memory_space<vmem>>, vector<8x50000xf32>
      tpu.vector_store %arg7[%swap3A, %swap3A_18], %reduce_max3A_2 {strides = array<i32>} : memref<8x50000xf32, #tpu.memory_space<vmem>>, vector<8x50000xf32>,
      %swap3A_20 = arith.constant 0 : index
      %swap3A_21 = arith.constant 0 : index
      %swap3A_22 = vector.load %arg8[%swap3A_20, %swap3A_21] : memref<8x50000xf32, #tpu.memory_space<vmem>>, vector<8x50000xf32>
      tpu.vector_store %arg8[%swap3A_20, %swap3A_21], %dot_general3A_6 {strides = array<i32>} : memref<8x50000xf32, #tpu.memory_space<vmem>>, vector<8x50000xf32>,
    } else {
    }
    %ne3A = arith.constant 0 : i32
    %ne3A_9 = arith.cmpi ne, %arg0, %ne3A : i32
    %convert_element_type3A_10 = arith.extui %ne3A_9 : i1 to i32
    %cond3A_11 = arith.constant 0 : i32
    %cond3A_12 = arith.cmpi ne, %convert_element_type3A_10, %cond3A_11 : i32
    scf.if %cond3A_12 {
      %get3A_18 = arith.constant 0 : index
      %get3A_19 = arith.constant 0 : index
      %get3A_20 = vector.load %arg7[%get3A_18, %get3A_19] : memref<8x50000xf32, #tpu.memory_space<vmem>>, vector<8x50000xf32>
      %max3A = arith.maximumf %get3A_20, %reduce_max3A_2 : vector<8x50000xf32>
      %swap3A = arith.constant 0 : index
      %swap3A_21 = arith.constant 0 : index
      %swap3A_22 = vector.load %arg7[%swap3A, %swap3A_21] : memref<8x50000xf32, #tpu.memory_space<vmem>>, vector<8x50000xf32>
      tpu.vector_store %arg7[%swap3A, %swap3A_21], %max3A {strides = array<i32>} : memref<8x50000xf32, #tpu.memory_space<vmem>>, vector<8x50000xf32>,
      %get3A_23 = arith.constant 0 : index
      %get3A_24 = arith.constant 0 : index
      %get3A_25 = vector.load %arg8[%get3A_23, %get3A_24] : memref<8x50000xf32, #tpu.memory_space<vmem>>, vector<8x50000xf32>
      %add3A = arith.addf %get3A_25, %dot_general3A_6 : vector<8x50000xf32>
      %swap3A_26 = arith.constant 0 : index
      %swap3A_27 = arith.constant 0 : index
      %swap3A_28 = vector.load %arg8[%swap3A_26, %swap3A_27] : memref<8x50000xf32, #tpu.memory_space<vmem>>, vector<8x50000xf32>
      tpu.vector_store %arg8[%swap3A_26, %swap3A_27], %add3A {strides = array<i32>} : memref<8x50000xf32, #tpu.memory_space<vmem>>, vector<8x50000xf32>,
    } else {
    }
    %eq3A_13 = arith.constant 24 : i32
    %eq3A_14 = arith.cmpi eq, %arg0, %eq3A_13 : i32
    %convert_element_type3A_15 = arith.extui %eq3A_14 : i1 to i32
    %cond3A_16 = arith.constant 0 : i32
    %cond3A_17 = arith.cmpi ne, %convert_element_type3A_15, %cond3A_16 : i32
    scf.if %cond3A_17 {
      %get3A_18 = arith.constant 0 : index
      %get3A_19 = arith.constant 0 : index
      %get3A_20 = vector.load %arg7[%get3A_18, %get3A_19] : memref<8x50000xf32, #tpu.memory_space<vmem>>, vector<8x50000xf32>
      %reduce_max3A_21 = arith.constant dense<0xFF800000> : vector<50000xf32>
      %reduce_max3A_22 = vector.multi_reduction <maximumf>, %get3A_20, %reduce_max3A_21 [0] : vector<8x50000xf32> to vector<50000xf32>
      %broadcast_in_dim3A = vector.shape_cast %reduce_max3A_22 : vector<50000xf32> to vector<1x50000xf32>
      %get3A_23 = arith.constant 0 : index
      %get3A_24 = arith.constant 0 : index
      %get3A_25 = vector.load %arg8[%get3A_23, %get3A_24] : memref<8x50000xf32, #tpu.memory_space<vmem>>, vector<1x50000xf32>
      %div3A = arith.divf %broadcast_in_dim3A, %get3A_25 : vector<1x50000xf32>
      %get3A_26 = arith.constant 0 : index
      %get3A_27 = arith.constant 0 : index
      %get3A_28 = vector.load %arg2[%get3A_26, %get3A_27] : memref<1x50000xf32, #tpu.memory_space<vmem>>, vector<1x50000xf32>
      %exp3A_29 = math.exp %get3A_28 : vector<1x50000xf32>
      %eq3A_30 = arith.cmpf oeq, %exp3A_29, %broadcast_in_dim3A : vector<1x50000xf32>
      %convert_element_type3A_31 = arith.extui %eq3A_30 : vector<1x50000xi1> to vector<1x50000xi32>
      %convert_element_type3A_32 = arith.sitofp %convert_element_type3A_31 : vector<1x50000xi32> to vector<1x50000xf32>
      %get3A_33 = arith.constant 0 : index
      %get3A_34 = arith.constant 0 : index
      %get3A_35 = vector.load %arg4[%get3A_33, %get3A_34] : memref<16x1xf32, #tpu.memory_space<vmem>>, vector<16x1xf32>
      %get3A_36 = arith.constant 0 : index
      %get3A_37 = arith.constant 0 : index
      %get3A_38 = vector.load %arg5[%get3A_36, %get3A_37] : memref<16x1xf32, #tpu.memory_space<vmem>>, vector<16x1xf32>
      %gt3A = vector.broadcast %div3A : vector<1x50000xf32> to vector<16x50000xf32>
      %gt3A_39 = vector.broadcast %get3A_35 : vector<16x1xf32> to vector<16x50000xf32>
      %gt3A_40 = arith.cmpf ogt, %gt3A, %gt3A_39 : vector<16x50000xf32>
      %le3A = vector.broadcast %div3A : vector<1x50000xf32> to vector<16x50000xf32>
      %le3A_41 = vector.broadcast %get3A_38 : vector<16x1xf32> to vector<16x50000xf32>
      %le3A_42 = arith.cmpf ole, %le3A, %le3A_41 : vector<16x50000xf32>
      %and3A = arith.andi %gt3A_40, %le3A_42 : vector<16x50000xi1>
      %convert_element_type3A_43 = arith.extui %and3A : vector<16x50000xi1> to vector<16x50000xi32>
      %convert_element_type3A_44 = arith.sitofp %convert_element_type3A_43 : vector<16x50000xi32> to vector<16x50000xf32>
      %reduce_sum3A = arith.constant dense<0.000000e+00> : vector<16xf32>
      %reduce_sum3A_45 = vector.multi_reduction <add>, %convert_element_type3A_44, %reduce_sum3A [1] : vector<16x50000xf32> to vector<16xf32>
      %broadcast_in_dim3A_46 = vector.shape_cast %reduce_sum3A_45 : vector<16xf32> to vector<16x1xf32>
      %mul3A = vector.broadcast %div3A : vector<1x50000xf32> to vector<16x50000xf32>
      %mul3A_47 = arith.mulf %convert_element_type3A_44, %mul3A : vector<16x50000xf32>
      %reduce_sum3A_48 = arith.constant dense<0.000000e+00> : vector<16xf32>
      %reduce_sum3A_49 = vector.multi_reduction <add>, %mul3A_47, %reduce_sum3A_48 [1] : vector<16x50000xf32> to vector<16xf32>
      %broadcast_in_dim3A_50 = vector.shape_cast %reduce_sum3A_49 : vector<16xf32> to vector<16x1xf32>
      %mul3A_51 = vector.broadcast %convert_element_type3A_32 : vector<1x50000xf32> to vector<16x50000xf32>
      %mul3A_52 = arith.mulf %convert_element_type3A_44, %mul3A_51 : vector<16x50000xf32>
      %reduce_sum3A_53 = arith.constant dense<0.000000e+00> : vector<16xf32>
      %reduce_sum3A_54 = vector.multi_reduction <add>, %mul3A_52, %reduce_sum3A_53 [1] : vector<16x50000xf32> to vector<16xf32>
      %broadcast_in_dim3A_55 = vector.shape_cast %reduce_sum3A_54 : vector<16xf32> to vector<16x1xf32>
      %max3A = arith.constant 1.000000e+00 : f32
      %max3A_56 = vector.broadcast %max3A : f32 to vector<16x1xf32>
      %max3A_57 = arith.maximumf %broadcast_in_dim3A_46, %max3A_56 : vector<16x1xf32>
      %div3A_58 = arith.constant 5.000000e+04 : f32
      %div3A_59 = vector.broadcast %div3A_58 : f32 to vector<16x1xf32>
      %div3A_60 = arith.divf %broadcast_in_dim3A_46, %div3A_59 : vector<16x1xf32>
      %gt3A_61 = arith.constant 0.000000e+00 : f32
      %gt3A_62 = vector.broadcast %gt3A_61 : f32 to vector<16x1xf32>
      %gt3A_63 = arith.cmpf ogt, %div3A_60, %gt3A_62 : vector<16x1xf32>
      %div3A_64 = arith.divf %broadcast_in_dim3A_50, %max3A_57 : vector<16x1xf32>
      %div3A_65 = arith.divf %broadcast_in_dim3A_55, %max3A_57 : vector<16x1xf32>
      %sub3A = arith.subf %div3A_64, %div3A_65 : vector<16x1xf32>
      %abs3A = math.absf %sub3A : vector<16x1xf32>
      %mul3A_66 = arith.mulf %abs3A, %div3A_60 : vector<16x1xf32>
      %jit3A = arith.constant 0.000000e+00 : f32
      %broadcast_in_dim3A_67 = vector.broadcast %jit3A : f32 to vector<16x1xf32>
      %select_n3A = arith.select %gt3A_63, %mul3A_66, %broadcast_in_dim3A_67 : vector<16x1xi1>, vector<16x1xf32>
      %reduce_sum3A_68 = vector.shape_cast %select_n3A : vector<16x1xf32> to vector<1x16x1xf32>
      %reduce_sum3A_69 = arith.constant dense<0.000000e+00> : vector<1xf32>
      %reduce_sum3A_70 = vector.multi_reduction <add>, %reduce_sum3A_68, %reduce_sum3A_69 [1, 2] : vector<1x16x1xf32> to vector<1xf32>
      %reduce_sum3A_71 = vector.shape_cast %reduce_sum3A_70 : vector<1xf32> to vector<1x1x1xf32>
      %reduce_sum3A_72 = vector.extract %reduce_sum3A_71[0, 0, 0] : f32 from vector<1x1x1xf32>
      %broadcast_in_dim3A_73 = vector.broadcast %reduce_sum3A_72 : f32 to vector<1x1xf32>
      %swap3A = arith.constant 0 : index
      %swap3A_74 = arith.constant 0 : index
      %swap3A_75 = vector.load %arg6[%swap3A, %swap3A_74] : memref<1x1xf32, #tpu.memory_space<vmem>>, vector<1x1xf32>
      tpu.vector_store %arg6[%swap3A, %swap3A_74], %broadcast_in_dim3A_73 {strides = array<i32>} : memref<1x1xf32, #tpu.memory_space<vmem>>, vector<1x1xf32>,
    } else {
    }
    return
  }
  func.func @transform_0(%arg0: i32) -> (i32, i32) {
    %c0_i32 = arith.constant 0 : i32
    %c0_i32_0 = arith.constant 0 : i32
    return %arg0, %c0_i32 : i32, i32
  }
  func.func @transform_1(%arg0: i32) -> (i32, i32) {
    %c0_i32 = arith.constant 0 : i32
    %c0_i32_0 = arith.constant 0 : i32
    %c0_i32_1 = arith.constant 0 : i32
    return %c0_i32, %c0_i32_0 : i32, i32
  }
  func.func @transform_2(%arg0: i32) -> (i32, i32) {
    %c0_i32 = arith.constant 0 : i32
    %c0_i32_0 = arith.constant 0 : i32
    %c0_i32_1 = arith.constant 0 : i32
    return %c0_i32, %c0_i32_0 : i32, i32
  }
  func.func @transform_3(%arg0: i32) -> (i32, i32) {
    %c0_i32 = arith.constant 0 : i32
    %c0_i32_0 = arith.constant 0 : i32
    %c0_i32_1 = arith.constant 0 : i32
    return %c0_i32, %c0_i32_0 : i32, i32
  }
  func.func @transform_4(%arg0: i32) -> (i32, i32) {
    %c0_i32 = arith.constant 0 : i32
    %c0_i32_0 = arith.constant 0 : i32
    %c0_i32_1 = arith.constant 0 : i32
    return %c0_i32, %c0_i32_0 : i32, i32
  }
  func.func @transform_5(%arg0: i32) -> (i32, i32) {
    %c0_i32 = arith.constant 0 : i32
    %c0_i32_0 = arith.constant 0 : i32
    %c0_i32_1 = arith.constant 0 : i32
    return %c0_i32, %c0_i32_0 : i32, i32
  }
}

</mosaic_0001>

<sc_bundles>
// kernel: kernel.4.cloned.1.call-start
scs
__scs_entry_jumppad:
0x0: {  	(pc) =	sbr.rel $0x88, $3  }
0x1: {  	(tag) =	ssettag $0x0;
	lr =	simm.s32 $0x1  }
0x2: {  	[smem:$0x3F9F] =	sst lr;
	_ =	strace $0xD0000000  }
0x3: {  	_ = 	snop  }
0x4: {  	_ = 	snop  }
0x5: {  	_ = 	snop  }
0x6: {  	_ = 	snop  }
0x7: {  	_ = 	snop  }
__scs_overlays_trampoline_lowered:
0x8: {  	[smem:$0x3FAE] =	sst s0  }
0x9: {  	[smem:$0x3FAF] =	sst s1  }
0xa: {  	[smem:$0x3FB0] =	sst s2  }
0xb: {  	[smem:$0x3FB1] =	sst s3  }
0xc: {  	[smem:$0x3FB2] =	sst s4  }
0xd: {  	[smem:$0x3FB3] =	sst s5  }
0xe: {  	[smem:$0x3FB4] =	sst s6  }
0xf: {  	[smem:$0x3FB5] =	sst s7  }
0x10: {  	[smem:$0x3FB6] =	sst s8  }
0x11: {  	[smem:$0x3FB7] =	sst s9;
	s0 =	simm.s32 @!p0 $0x0  }
0x12: {  	s1 =	sld [smem:$0x3F9D];
	s0 =	simm.s32 @p0 $0x1  }
0x13: {  	[smem:$0x3FB8] =	sst s0;
	s0 =	simm.s32 @!p1 $0x0  }
0x14: {  	s2 =	sld [smem:$0x3F9C];
	s0 =	simm.s32 @p1 $0x1  }
0x15: {  	[smem:$0x3FB9] =	sst s0;
	s0 =	simm.s32 @!p2 $0x0  }
0x16: {  	s3 =	sld [smem:$0x3FDB];
	s0 =	simm.s32 @p2 $0x1  }
0x17: {  	s4 =	simm.s32 $0x1BF5;
	[smem:$0x3FBB] =	sst s0  }
0x18: {  	s0 =	sld [smem:$0x3F9E];
	_ =	swait.ge [sflag:s4], $0x0  }
0x19: {  	s7 =	sld [smem:$0x3F9F]  }
0x1a: {  	s8 =	sadd.s32 $0xFFFFE003, lr  }
0x1b: {  	s9 =	sadd.s32 $0xFFFFFEF7, lr;
	s5 =	simm.s32 $0xFFFFFFFF;
	p2 =	slt.u32 s8, $0xFFFFF086  }
0x1c: {  	p1 =	slt.u32 s9, $0xF7A;
	s5 =	simm.s32 @!p2 $0x0  }
0x1d: {  	s5 =	simm.s32 @p1 $0x1;
	p0 =	seq.s32 s7, s2  }
0x1e: {  	s7 =	smul.u32 @!p0 $0xF7A, s2;
	p2 =	seq.s32 @!p0 s5, $0x0  }
0x1f: {  	s9 =	smul.u32 $0xF7A, s1;
	s8 =	simm.s32 @!p0 $0x1BF5;
	p2 =	por !p2, p0  }
0x20: {  	[sflag:s8] =	ssyncset.s32 @!p0 $0xFFFFF086;
	s6 =	sadd.s32 @!p0 s3, s7;
	s7 =	simm.s32 @!p0 $0x108  }
0x21: {  	s3 =	sadd.s32 s3, s9;
	s6 =	sadd.s32 @!p0 $0x88, s6;
	s7 =	simm.s32 @p2 $0x1082  }
0x22: {  	[simem:s7], [sflag:s8] =	dma.local @!p0 [hbm:s6], $0xF7A  }
0x23: {  	s9 =	sor.u32 $0xD0000000, s2;
	s6 =	simm.s32 $0x108;
	_ =	swait.ge @!p0 [sflag:s8], $0x0  }
0x24: {  	s3 =	sadd.s32 $0x88, s3;
	s6 =	simm.s32 @!p1 $0x1082;
	[sflag:s4] =	ssyncset.s32 $0xFFFFF086  }
0x25: {  	[simem:s6], [sflag:s4] =	dma.local [hbm:s3], $0xF7A  }
0x26: {  	[smem:$0x3F9F] =	sst s1;
	(tag) =	ssettag s2;
	_ =	strace s9  }
0x27: {  	s1 =	sld [smem:$0x3FAF]  }
0x28: {  	s2 =	sld [smem:$0x3FB0]  }
0x29: {  	s4 =	sld [smem:$0x3FB2]  }
0x2a: {  	p0 =	seq.s32 s5, $0x0;
	s5 =	sld [smem:$0x3FB3]  }
0x2b: {  	s6 =	sld [smem:$0x3FB4]  }
0x2c: {  	s7 =	sld [smem:$0x3FB5]  }
0x2d: {  	s3 =	simm.s32 $0x108;
	s8 =	sld [smem:$0x3FB6]  }
0x2e: {  	s3 =	simm.s32 @!p0 $0x1082;
	s9 =	sld [smem:$0x3FB7]  }
0x2f: {  	lr =	sadd.s32 s0, s3;
	s0 =	sld [smem:$0x3FAE]  }
0x30: {  	s3 =	sld [smem:$0x3FB1]  }
0x31: {  	[smem:$0x3FBA] =	sst s10  }
0x32: {  	s10 =	sld [smem:$0x3FB8];
	_ =	sdelay $0x3  }
0x33: {  	p0 =	seq.s32 s10, $0x1;
	s10 =	sld [smem:$0x3FBA];
	_ =	sdelay $0x3  }
0x34: {  	[smem:$0x3FBA] =	sst s10  }
0x35: {  	s10 =	sld [smem:$0x3FB9];
	_ =	sdelay $0x3  }
0x36: {  	p1 =	seq.s32 s10, $0x1;
	s10 =	sld [smem:$0x3FBA];
	_ =	sdelay $0x3  }
0x37: {  	[smem:$0x3FBA] =	sst s10  }
0x38: {  	s10 =	sld [smem:$0x3FBB]  }
0x39: {  	_ = 	snop;
	(pc) =	sbr.ind lr, $3  }
0x3a: {  	_ = 	snop  }
0x3b: {  	_ = 	snop  }
0x3c: {  	p2 =	seq.s32 s10, $0x1;
	s10 =	sld [smem:$0x3FBA]  }
0x3d: {  	_ =	shalt  }
0x3e: {  	_ =	shalt  }
0x3f: {  	_ =	shalt  }
0x40: {  	_ =	shalt  }
0x41: {  	_ =	shalt  }
0x42: {  	_ =	shalt  }
0x43: {  	_ =	shalt  }
0x44: {  	_ =	shalt  }
0x45: {  	_ =	shalt  }
0x46: {  	_ =	shalt  }
0x47: {  	_ =	shalt  }
0x48: {  	_ =	shalt  }
0x49: {  	_ =	shalt  }
0x4a: {  	_ =	shalt  }
0x4b: {  	_ =	shalt  }
0x4c: {  	_ =	shalt  }
0x4d: {  	_ =	shalt  }
0x4e: {  	_ =	shalt  }
0x4f: {  	_ =	shalt  }
0x50: {  	_ =	shalt  }
0x51: {  	_ =	shalt  }
0x52: {  	_ =	shalt  }
0x53: {  	_ =	shalt  }
0x54: {  	_ =	shalt  }
0x55: {  	_ =	shalt  }
0x56: {  	_ =	shalt  }
0x57: {  	_ =	shalt  }
0x58: {  	_ =	shalt  }
0x59: {  	_ =	shalt  }
0x5a: {  	_ =	shalt  }
0x5b: {  	_ =	shalt  }
0x5c: {  	_ =	shalt  }
0x5d: {  	_ =	shalt  }
0x5e: {  	_ =	shalt  }
0x5f: {  	_ =	shalt  }
0x60: {  	_ =	shalt  }
0x61: {  	_ =	shalt  }
0x62: {  	_ =	shalt  }
0x63: {  	_ =	shalt  }
0x64: {  	_ =	shalt  }
0x65: {  	_ =	shalt  }
0x66: {  	_ =	shalt  }
0x67: {  	_ =	shalt  }
0x68: {  	_ =	shalt  }
0x69: {  	_ =	shalt  }
0x6a: {  	_ =	shalt  }
0x6b: {  	_ =	shalt  }
0x6c: {  	_ =	shalt  }
0x6d: {  	_ =	shalt  }
0x6e: {  	_ =	shalt  }
0x6f: {  	_ =	shalt  }
0x70: {  	_ =	shalt  }
0x71: {  	_ =	shalt  }
0x72: {  	_ =	shalt  }
0x73: {  	_ =	shalt  }
0x74: {  	_ =	shalt  }
0x75: {  	_ =	shalt  }
0x76: {  	_ =	shalt  }
0x77: {  	_ =	shalt  }
0x78: {  	_ =	shalt  }
0x79: {  	_ =	shalt  }
0x7a: {  	_ =	shalt  }
0x7b: {  	_ =	shalt  }
0x7c: {  	_ =	shalt  }
0x7d: {  	_ =	shalt  }
0x7e: {  	_ =	shalt  }
0x7f: {  	_ =	shalt  }
0x80: {  	_ =	shalt  }
0x81: {  	_ =	shalt  }
0x82: {  	_ =	shalt  }
0x83: {  	_ =	shalt  }
0x84: {  	_ =	shalt  }
0x85: {  	_ =	shalt  }
0x86: {  	_ =	shalt  }
0x87: {  	_ =	shalt  }
.Lfunc_end0:
.L_simem_size_0:
called_computation_lowered:
.L_overlay_start_0:
0x88: {  	s2 =	sld [smem:$0x3FD9]  }
0x89: {  	s3 =	sld [smem:$0x3FFE];
	_ =	sdelay $0x1  }
0x8a: {  	s1 =	srdreg.scid  }
0x8b: {  	s0 =	sand.u32 $0x1, s1  }
0x8c: {  	s16 =	sshll.u32 s0, $0xA;
	s2 =	sadd.s32 s3, s2  }
0x8d: {  	s2 =	sadd.s32 s2, s16  }
0x8e: {  	[smem:$0x3FC6] =	sst s2  }
0x8f: {  	_ = 	snop  }
0x90: {  	(tm) =	ssettm $0x1  }
0x91: {  	s17 =	sld [smem:$0x3FFB];
	_ =	sdelay $0x3  }
0x92: {  	_ =	strace s17  }
0x93: {  	s2 =	sld [smem:$0x3FFC];
	_ =	sdelay $0x3  }
0x94: {  	_ =	strace s2  }
0x95: {  	s2 =	sld [smem:$0x3FFD];
	_ =	sdelay $0x3  }
0x96: {  	_ =	strace s2  }
0x97: {  	_ =	strace $0x8FFFFFFF  }
0x98: {  	s18 =	sld [smem:$0x3FDB];
	_ =	sdelay $0x1  }
0x99: {  	s19 =	simm.s32 $_scs_section_size  }
0x9a: {  	s4 =	simm.s32 $_size__tile_overlayer_lowered;
	s5 =	simm.s32 $_tile_overlayer_lowered  }
0x9b: {  	s22 =	simm.s32 $0x1BFF;
	s21 =	sshll.u32 s5, $0x1;
	s2 =	sadd.s32 s19, s18  }
0x9c: {  	s6 =	simm.s32 $0x0;
	s20 =	sshll.u32 s4, $0x1;
	s4 =	sadd.s32 s21, s2  }
0x9d: {  	[timem:s6], [sflag:s22] =	dma.local [hbm:s4], s20  }
0x9e: {  	_ =	swait.ge [sflag:s22], s20  }
0x9f: {  	s3 =	ssub.s32 $0x0, s20;
	[sflag:s22] =	ssyncset.done $0x0  }
0xa0: {  	[sflag:s22] =	ssyncadd.s32 s3;
	_ =	sdelay $0x1  }
0xa1: {  	s23 =	simm.s32 $0x1B8B  }
0xa2: {  	_ =	swait.ge [sflag:s23], $0x1  }
0xa3: {  	[sflag:s23] =	ssyncset.done $0x0  }
0xa4: {  	s25 =	simm.s32 $0x1B8E;
	s24 =	sld [smem:$0x3FFE];
	[sflag:s23] =	ssyncadd.s32 $0xFFFFFFFF  }
0xa5: {  	s26 =	simm.s32 $execute0_lowered;
	[smem:$0x3FD2] =	sst s25  }
0xa6: {  	s4 =	sshll.u32 s26, $0x1;
	_ =	strace $0x80000046;
	[dreg:$0x1] =	wrdreg $0xFFFFFFFF  }
0xa7: {  	s28 =	simm.s32 $_size_execute0_lowered;
	s2 =	sadd.s32 s2, s4;
	[dreg:$0x0] =	wrdreg $0x0  }
0xa8: {  	s4 =	sshll.u32 s28, $0x1;
	[dreg:$0x2] =	wrdreg s2  }
0xa9: {  	[dreg:$0x3] =	wrdreg s4  }
0xaa: {  	[dreg:$0x4] =	wrdreg $0xC0  }
0xab: {  	_ =	task [dreg:s6], $0x5FFFF  }
0xac: {  	[dreg:$0x1] =	wrdreg $0xFFFFFFFF  }
0xad: {  	[dreg:$0x0] =	wrdreg $0x60  }
0xae: {  	[dreg:$0x2] =	wrdreg s24  }
0xaf: {  	[dreg:$0x3] =	wrdreg $0x9  }
0xb0: {  	_ =	task.clear_ibuf [dreg:s6], $0x4FFFF;
	_ =	strace $0x90000046  }
0xb1: {  	s29 =	simm.s32 $0x9;
	_ =	strace $0x80000048  }
0xb2: {  	_ =	swait.ge [sflag:s29], $0x1  }
0xb3: {  	[sflag:s29] =	ssyncadd.s32 $0xFFFFFFFF  }
0xb4: {  	_ =	strace $0x90000048  }
0xb5: {  	_ =	sfence  }
0xb6: {  	s30 =	sld [smem:$0x0];
	_ =	sdelay $0x2  }
0xb7: {  	s31 =	sshll.u32 s1, $0xD;
	s1 =	sshrl.u32 s1, $0x2  }
0xb8: {  	s3 =	sand.u32 $0x4000, s31;
	s1 =	sadd.s32 s1, s30  }
0xb9: {  	s0 =	sor.u32 s3, s0;
	s1 =	sshll.u32 s1, $0x11  }
0xba: {  	s0 =	sor.u32 s1, s0  }
0xbb: {  	s0 =	sadd.s32 $0x8F2B, s0  }
0xbc: {  	[sflag:s0] =	ssyncadd.remote.s32 $0x1  }
0xbd: {  	_ =	sfence.sel $0xFFFF  }
0xbe: {  	[dreg:$0x0] =	wrdreg $0xFFFFFFFF;
	(pc) =	sbr.abs _section_cstart, $3  }
0xbf: {  	[dreg:$0x1] =	wrdreg $0xFFFFFFFF  }
0xc0: {  	_ =	task.clear_ibuf [dreg:s6], $0x2FFFF;
	_ =	strace $0x9FFFFFFF  }
0xc1: {  	(tm) =	ssettm $0x7FFFFFFF  }
tec
execute0_lowered:
.L_overlay_start_1:
0x0: {  	(tag) =	ssettag $0x1  }
0x1: {  	s1 =	srdreg.scid  }
0x2: {  	s0 =	stileid.u32;
	s4 =	rddreg [dreg:$0x0];
	s2 =	simm.s32 $0x0  }
0x3: {  	s10 =	simm.s32 $0x680;
	s5 =	sand.u32 $0x1, s1;
	s3 =	sshll.u32 s0, $0x1  }
0x4: {  	s11 =	simm.s32 $0x1;
	s1 =	rddreg [dreg:$0x1];
	s3 =	sor.u32 s5, s3  }
0x5: {  	s12 =	simm.s32 $0x0;
	[smem:$0x7FF] =	sst s2;
	s6 =	smul.u32 $0x620, s3  }
0x6: {  	s9 =	smul.u32 $0xC40, s0;
	_ =	strace $0x80000047;
	s7 =	ssub.s32 $0x2, s5  }
0x7: {  	s31 =	smul.u32 $0x620, s5;
	s8 =	sshrl.u32 s7, $0x1;
	s6 =	sshrl.u32 s6, $0x3  }
0x8: {  	s3 =	sadd.s32 $0xA00, s4;
	s7 =	ssub.s32 s7, s8;
	s6 =	sadd.s32 s6, s4  }
0x9: {  	s8 =	simm.s32 $0x2;
	s4 =	sadd.s32 $0x5F6A00, s6;
	s5 =	sadd.s32 $0x5F8400, s6  }
0xa: {  	v0 =	vlaneseq.u32;
	s6 =	smax.u32 s7, $0x1;
	s7 =	sadd.s32 s31, s9;
	s9 =	simm.s32 $0x620  }
.LBB2_1:
0xb: {  	[tilespmem:s2], [sflag:$0x2] =	stream.linear.gather [hbm4b:s4+s2], $0x620, $0x38;
	[tilespmem:$0xD00] =	vst v63  }
0xc: {  	_ =	swait.ge [sflag:s8], $0x620  }
0xd: {  	[sflag:s8] =	ssyncset.done $0x0  }
0xe: {  	s14 =	simm.s32 $0x0;
	[sflag:s8] =	ssyncadd.s32 $0xFFFFF9E0  }
0xf: {  	v1 =	vld [tilespmem:s14+$0x0];
	_ =	sdelay $0x4  }
0x10: {  	v1 =	vmul.u32 $0xC350, v1;
	_ =	sdelay $0x1  }
0x11: {  	v1 =	vadd.s32 s7, v1  }
0x12: {  	v1 =	vadd.s32 v0, v1  }
0x13: {  	s13 =	simm.s32 $0x10;
	s15 =	simm.s32 $0x80;
	[tilespmem:s14+$0x0] =	vst v1;
	s14 =	smov.u32 s7  }
.LBB2_2:
0x14: {  	p0 =	sne.s32 s15, $0x1840;
	v1 =	vld [tilespmem:s13+$0x0];
	_ =	sdelay $0x4  }
.Ltmp0:
0x15: {  	v1 =	vmul.u32 $0xC350, v1;
	(pc) =	sbr.rel @p0 .LBB2_2-.Ltmp0, $4  }
0x16: {  	s14 =	sadd.s32 $0x10, s14  }
0x17: {  	v1 =	vadd.s32 s14, v1  }
0x18: {  	v1 =	vadd.s32 v0, v1  }
0x19: {  	[tilespmem:s13+$0x0] =	vst v1;
	s13 =	sshra.s32 s15, $0x2;
	s15 =	sadd.s32 $0x40, s15  }
0x1a: {  	v1 =	vld [tilespmem:s13+$0x0];
	_ =	sdelay $0x4  }
0x1b: {  	v1 =	vmul.u32 $0xC350, v1  }
0x1c: {  	s14 =	sadd.s32 $0x10, s14  }
0x1d: {  	v1 =	vadd.s32 s14, v1  }
0x1e: {  	v1 =	vadd.s32 v0, v1  }
0x1f: {  	[tilespmem:s13+$0x0] =	vst v1  }
0x20: {  	[tilespmem:s10], [sflag:$0x1] =	stream.indirect.gather [hbm4b:s3+s9], $0x1, s2, s9, $0xb8;
	[tilespmem:$0xD00] =	vst v63  }
0x21: {  	s12 =	sadd.s32 $0x1, s12;
	_ =	swait.ge [sflag:s11], $0x620  }
0x22: {  	p0 =	sne.s32 s12, s6;
	[sflag:s11] =	ssyncset.done $0x0  }
.Ltmp1:
0x23: {  	[sflag:s11] =	ssyncadd.s32 $0xFFFFF9E0;
	(pc) =	sbr.rel @p0 .LBB2_1-.Ltmp1, $4  }
0x24: {  	[hbm4b:s5+s2] =	stream.linear.scatter [tilespmem:s10], [sflag:$0x2], $0x620, $0x38;
	[tilespmem:$0xD00] =	vst v63  }
0x25: {  	_ =	swait.ge [sflag:s8], $0x620  }
0x26: {  	[sflag:s8] =	ssyncset.done $0x0  }
0x27: {  	[sflag:s8] =	ssyncadd.s32 $0xFFFFF9E0  }
0x28: {  	_ =	sfence.sel $0x180000  }
0x29: {  	[bflag:$0x0] =	sbarrier.arrive $0xFFFF  }
0x2a: {  	p0 =	sne.s32 s0, $0x0;
	_ =	strace $0x90000047  }
0x2b: {  	s0 =	sadd.s32 @!p0 $0x100000, s1;
	[bflag:$0x2] =	sbarrier.arrive $0xFFFF  }
0x2c: {  	[sflag:s0] =	ssyncadd.tile.s32 @!p0 $0x1;
	_ =	shalt  }
.Lfunc_end2:
_tile_overlayer_lowered:
.L_overlay_start_2:
0x2d: {  	(tag) =	ssettag $0x2  }
0x2e: {  	s0 =	rddreg [dreg:$0x0];
	s2 =	stileid.u32  }
0x2f: {  	s1 =	rddreg [dreg:$0x1];
	p0 =	sne.s32 s2, $0x0  }
0x30: {  	s3 =	rddreg [dreg:$0x2];
	[bflag:$0x3] =	sbarrier.arrive $0xFFFF;
	s2 =	simm.s32 @!p0 $0x1C02  }
0x31: {  	[timem:s3], [sflag:s2] =	dma.local @!p0 [hbm:s0], s1  }
0x32: {  	s0 =	simm.s32 @!p0 $0x2  }
0x33: {  	_ =	swait.ge @!p0 [sflag:s0], s1  }
0x34: {  	s1 =	ssub.s32 @!p0 $0x0, s1;
	[sflag:s0] =	ssyncset.done @!p0 $0x0  }
0x35: {  	[sflag:s0] =	ssyncadd.s32 @!p0 s1  }
0x36: {  	[bflag:$0x3] =	sbarrier.arrive $0xFFFF  }
0x37: {  	_ =	shalt  }

</sc_bundles>
